<compile_context>
chip_gen: v7x
topology: tpu7x:2x2x1
jax: 0.10.2.dev20260603
libtpu: 0.0.44.dev20260713+nightly
codegen_flags: <defaults>
</compile_context>

<pallas_src>
import functools

import jax
import jax.numpy as jnp
from jax import lax
from jax.experimental import pallas as pl
from jax.experimental.pallas import tpu as pltpu
from jax.experimental.pallas import tpu_sc as plsc

NUM_EXPERTS = 64
ALPHA = 0.01
NC = 2
NS = 16
NW = NC * NS
LANES = 16

TOTAL_IDX = 4 * 8192 * 2
IDX_PER_TILE = TOTAL_IDX // NW
TOTAL_ROWS = 4 * 8192
TC_GRID = 16
COLS_PER_BLOCK = 8192 // TC_GRID


def _sc_hist_body(idx_hbm, out_hbm, idx_v, hist_v, part_v):
    wid = lax.axis_index("s") * NC + lax.axis_index("c")
    base = wid * IDX_PER_TILE
    pltpu.sync_copy(idx_hbm.at[pl.ds(base, IDX_PER_TILE)], idx_v)

    def zero_body(i, carry):
        hist_v[pl.ds(i * LANES, LANES)] = jnp.zeros((LANES,), jnp.float32)
        return carry

    lax.fori_loop(0, (LANES * NUM_EXPERTS) // LANES, zero_body, 0)

    lane_off = lax.iota(jnp.int32, LANES) * NUM_EXPERTS
    ones = jnp.ones((LANES,), jnp.float32)

    def hist_body(i, carry):
        idx = idx_v[pl.ds(i * LANES, LANES)]
        plsc.addupdate_scatter(hist_v, [idx + lane_off], ones)
        return carry

    lax.fori_loop(0, IDX_PER_TILE // LANES, hist_body, 0)

    for j in range(NUM_EXPERTS // LANES):
        def fold_body(l, acc, _j=j):
            return acc + hist_v[pl.ds(l * NUM_EXPERTS + _j * LANES, LANES)]

        part_v[0, pl.ds(j * LANES, LANES)] = lax.fori_loop(
            0, LANES, fold_body, jnp.zeros((LANES,), jnp.float32)
        )

    pltpu.sync_copy(part_v, out_hbm.at[pl.ds(wid, 1)])


_sc_hist = functools.partial(
    pl.kernel,
    mesh=plsc.VectorSubcoreMesh(core_axis_name="c", subcore_axis_name="s"),
    out_type=jax.ShapeDtypeStruct((NW, NUM_EXPERTS), jnp.float32),
    scratch_types=[
        pltpu.VMEM((IDX_PER_TILE,), jnp.int32),
        pltpu.VMEM((LANES * NUM_EXPERTS,), jnp.float32),
        pltpu.VMEM((1, NUM_EXPERTS), jnp.float32),
    ],
    compiler_params=pltpu.CompilerParams(needs_layout_passes=False),
)(_sc_hist_body)


def _tc_sum_body(probs_ref, out_ref, acc_ref):
    i = pl.program_id(0)

    @pl.when(i == 0)
    def _init():
        acc_ref[...] = jnp.zeros_like(acc_ref)

    g = lax.rem(i, 4)
    s = jnp.sum(probs_ref[...], axis=1, keepdims=True)
    for gg in range(4):
        @pl.when(g == gg)
        def _acc(_gg=gg):
            acc_ref[_gg * 16:(_gg + 1) * 16, :] += s

    @pl.when(i == pl.num_programs(0) - 1)
    def _fold():
        out_ref[0, :] = jnp.sum(acc_ref[...], axis=1) * (1.0 / TOTAL_ROWS)


_tc_sum = pl.pallas_call(
    _tc_sum_body,
    grid=(TC_GRID,),
    in_specs=[
        pl.BlockSpec((16, 8192), lambda i: (i, 0)),
    ],
    out_specs=pl.BlockSpec((1, NUM_EXPERTS), lambda i: (0, 0)),
    out_shape=jax.ShapeDtypeStruct((1, NUM_EXPERTS), jnp.float32),
    scratch_shapes=[pltpu.VMEM((NUM_EXPERTS, 1), jnp.float32)],
)


def _tc_fin_body(mean_ref, counts_ref, loss1_ref, loss2_ref, util_ref, bal_ref):
    mean_probs = mean_ref[0, :]
    counts = jnp.sum(counts_ref[...], axis=0)
    frac = counts * (1.0 / TOTAL_IDX)
    loss = ALPHA * NUM_EXPERTS * jnp.sum(mean_probs * frac)
    util = jnp.sum((counts > 0.0).astype(jnp.float32)) * (1.0 / NUM_EXPERTS)
    mf = jnp.sum(frac) * (1.0 / NUM_EXPERTS)
    var = jnp.sum((frac - mf) ** 2) * (1.0 / NUM_EXPERTS)
    balance = 1.0 / (NUM_EXPERTS * var + 1e-8)
    loss1_ref[0, 0] = loss
    loss2_ref[0, 0] = loss
    util_ref[0, 0] = util
    bal_ref[0, 0] = balance


_tc_fin = pl.pallas_call(
    _tc_fin_body,
    out_specs=tuple(pl.BlockSpec(memory_space=pltpu.SMEM) for _ in range(4)),
    out_shape=tuple(
        jax.ShapeDtypeStruct((1, 1), jnp.float32) for _ in range(4)
    ),
)


def kernel(router_probs, expert_indices):
    probs_t = jnp.transpose(router_probs, (0, 2, 1)).reshape(
        4 * NUM_EXPERTS, 8192
    )
    idx_flat = (
        expert_indices.reshape(4, 64, 128, 2)
        .transpose(0, 1, 3, 2)
        .reshape(TOTAL_IDX)
    )
    probs_hbm = pltpu.with_memory_space_constraint(probs_t, pltpu.HBM)
    partial_counts = _sc_hist(idx_flat)
    mean_probs = _tc_sum(probs_hbm)
    loss1, loss2, util, bal = _tc_fin(mean_probs, partial_counts)
    return (
        loss1.reshape(()),
        loss2.reshape(()),
        util.reshape(()),
        bal.reshape(()),
    )

# --- scband reference (transcript-rebuilt; emitter-appended) ---
"""Pipeline reference for scband-mo-ebalance-loss-29892972380606 (READ-ONLY COPY).

The authoritative reference and input builder live on the scoring server;
editing this copy changes nothing except your own understanding.
"""

import jax, jax.numpy as jnp
import numpy as np

NUM_EXPERTS = 64
ALPHA = 0.01

def setup_inputs(seed: int = 0) -> dict:
    key = jax.random.key(seed)
    k1, k2 = jax.random.split(key)
    u = jax.random.uniform(k1, (4, 8192, NUM_EXPERTS), dtype=jnp.float32)
    router_probs = u / jnp.sum(u, axis=-1, keepdims=True)
    expert_indices = jax.random.randint(k2, (4, 8192, 2), 0, NUM_EXPERTS, dtype=jnp.int64 if jax.config.jax_enable_x64 else jnp.int32)
    return {"router_probs": router_probs, "expert_indices": expert_indices}

def reference(router_probs, expert_indices):
    batch_size, seq_len, _ = router_probs.shape
    mean_probs = jnp.mean(router_probs, axis=(0, 1))
    one_hot = jax.nn.one_hot(expert_indices, NUM_EXPERTS, dtype=jnp.float32)
    tokens_per_expert = jnp.sum(one_hot, axis=(0, 1, 2))
    total_tokens = batch_size * seq_len * expert_indices.shape[-1]
    expert_fractions = tokens_per_expert / total_tokens
    loss = ALPHA * NUM_EXPERTS * jnp.sum(mean_probs * expert_fractions)
    expert_utilization = jnp.mean((tokens_per_expert > 0).astype(jnp.float32))
    balance = 1.0 / (NUM_EXPERTS * jnp.var(expert_fractions) + 1e-08)
    return (loss, loss, expert_utilization, balance)

if __name__ == "__main__":
    import jax
    _d = setup_inputs()
    print(jax.jit(kernel)(*tuple(_d.values())))

</pallas_src>

<mosaic_0001>
#map = affine_map<(d0, d1) -> (0)>
#map1 = affine_map<(d0, d1) -> (0, 0)>
module attributes {stable_mosaic.version = 14 : i64} {
  func.func @_sc_hist_body(%arg0: i32, %arg1: i32, %arg2: memref<65536xi32, #tpu.memory_space<hbm>>, %arg3: memref<32x64xf32, #tpu.memory_space<hbm>>, %arg4: memref<2048xi32, #tpu.memory_space<vmem>>, %arg5: memref<1024xf32, #tpu.memory_space<vmem>>, %arg6: memref<1x64xf32, #tpu.memory_space<vmem>>) attributes {dimension_semantics = [#tpu.dimension_semantics<core_parallel>, #tpu.dimension_semantics<subcore_parallel>], iteration_bounds = array<i64: 2, 16>, scalar_prefetch = 0 : i64, scratch_operands = 3 : i64, tpu.core_type = #tpu.core_type<sc_vector_subcore>, window_params = [{transform_indices = #map}, {transform_indices = #map1}]} {
    %mul3A = arith.constant 2 : i32
    %mul3A_0 = arith.muli %arg1, %mul3A : i32
    %add3A = arith.addi %mul3A_0, %arg0 : i32
    %mul3A_1 = arith.constant 2048 : i32
    %mul3A_2 = arith.muli %add3A, %mul3A_1 : i32
    "tpu.region"() ({
      %run_scoped3A = tpu.sem_alloc : memref<!tpu.dma_semaphore, #tpu.memory_space<semaphore_mem>>
      %dma_start3A = tpu.memref_slice %arg2[%mul3A_2] : memref<65536xi32, #tpu.memory_space<hbm>> -> memref<2048xi32, #tpu.memory_space<hbm>>
      %dma_start3A_65 = tpu.memref_slice %arg2[%mul3A_2] : memref<65536xi32, #tpu.memory_space<hbm>> -> memref<2048xi32, #tpu.memory_space<hbm>>
      tpu.enqueue_dma source(%dma_start3A_65 : memref<2048xi32, #tpu.memory_space<hbm>>) target(%arg4 : memref<2048xi32, #tpu.memory_space<vmem>>) target_semaphore(%run_scoped3A : memref<!tpu.dma_semaphore, #tpu.memory_space<semaphore_mem>>)
      %dma_wait3A = tpu.memref_slice %arg2[%mul3A_2] : memref<65536xi32, #tpu.memory_space<hbm>> -> memref<2048xi32, #tpu.memory_space<hbm>>
      %dma_wait3A_66 = tpu.memref_slice %arg2[%mul3A_2] : memref<65536xi32, #tpu.memory_space<hbm>> -> memref<2048xi32, #tpu.memory_space<hbm>>
      tpu.wait_dma2 semaphore(%run_scoped3A : memref<!tpu.dma_semaphore, #tpu.memory_space<semaphore_mem>>) src(%dma_wait3A_66 : memref<2048xi32, #tpu.memory_space<hbm>>) dst(%arg4 : memref<2048xi32, #tpu.memory_space<vmem>>)
      tpu.yield
    }) : () -> ()
    %scan3A = arith.constant 0 : i32
    %scan3A_3 = arith.constant 0 : i32
    %scan3A_4 = arith.constant 64 : i32
    %scan3A_5 = arith.addi %scan3A_3, %scan3A_4 : i32
    %scan3A_6 = arith.constant 1 : i32
    scf.for %scan3A_65 = %scan3A_3 to %scan3A_5 step %scan3A_6  : i32 {
      %broadcast_in_dim3A_66 = arith.constant 0.000000e+00 : f32
      %broadcast_in_dim3A_67 = vector.broadcast %broadcast_in_dim3A_66 : f32 to vector<16xf32>
      %mul3A_68 = arith.constant 16 : i32
      %mul3A_69 = arith.muli %scan3A_65, %mul3A_68 : i32
      %swap3A_70 = arith.index_cast %mul3A_69 : i32 to index
      %swap3A_71 = tpu.vector_load %arg5[%swap3A_70] {strides = array<i32>} : memref<1024xf32, #tpu.memory_space<vmem>>, vector<16xf32>,
      tpu.vector_store %arg5[%swap3A_70], %broadcast_in_dim3A_67 {strides = array<i32>} : memref<1024xf32, #tpu.memory_space<vmem>>, vector<16xf32>,
    }
    %scan3A_7 = arith.constant 64 : i32
    %iota3A = tpu.iota {dimensions = array<i32: 0>} : vector<16xi32>
    %mul3A_8 = arith.constant 64 : i32
    %mul3A_9 = vector.broadcast %mul3A_8 : i32 to vector<16xi32>
    %mul3A_10 = arith.muli %iota3A, %mul3A_9 : vector<16xi32>
    %broadcast_in_dim3A = arith.constant 1.000000e+00 : f32
    %broadcast_in_dim3A_11 = vector.broadcast %broadcast_in_dim3A : f32 to vector<16xf32>
    %scan3A_12 = arith.constant 0 : i32
    %scan3A_13 = arith.constant 0 : i32
    %scan3A_14 = arith.constant 128 : i32
    %scan3A_15 = arith.addi %scan3A_13, %scan3A_14 : i32
    %scan3A_16 = arith.constant 1 : i32
    scf.for %scan3A_65 = %scan3A_13 to %scan3A_15 step %scan3A_16  : i32 {
      %mul3A_66 = arith.constant 16 : i32
      %mul3A_67 = arith.muli %scan3A_65, %mul3A_66 : i32
      %get3A = arith.index_cast %mul3A_67 : i32 to index
      %get3A_68 = tpu.vector_load %arg4[%get3A] {strides = array<i32>} : memref<2048xi32, #tpu.memory_space<vmem>>, vector<16xi32>,
      %add3A_69 = arith.addi %get3A_68, %mul3A_10 : vector<16xi32>
      tpu.vector_store_idx %arg5[%add3A_69], %broadcast_in_dim3A_11 {add = true} : memref<1024xf32, #tpu.memory_space<vmem>>[vector<16xi32>], vector<16xf32>,
    }
    %scan3A_17 = arith.constant 128 : i32
    %broadcast_in_dim3A_18 = arith.constant 0.000000e+00 : f32
    %broadcast_in_dim3A_19 = vector.broadcast %broadcast_in_dim3A_18 : f32 to vector<16xf32>
    %scan3A_20 = arith.constant 0 : i32
    %scan3A_21 = arith.constant 16 : i32
    %scan3A_22 = arith.addi %scan3A_20, %scan3A_21 : i32
    %scan3A_23 = arith.constant 1 : i32
    %scan3A_24 = scf.for %scan3A_65 = %scan3A_20 to %scan3A_22 step %scan3A_23 iter_args(%scan3A_66 = %broadcast_in_dim3A_19) -> (vector<16xf32>)  : i32 {
      %mul3A_67 = arith.constant 64 : i32
      %mul3A_68 = arith.muli %scan3A_65, %mul3A_67 : i32
      %add3A_69 = arith.constant 0 : i32
      %add3A_70 = arith.addi %mul3A_68, %add3A_69 : i32
      %get3A = arith.index_cast %add3A_70 : i32 to index
      %get3A_71 = tpu.vector_load %arg5[%get3A] {strides = array<i32>} : memref<1024xf32, #tpu.memory_space<vmem>>, vector<16xf32>,
      %add3A_72 = arith.addf %scan3A_66, %get3A_71 : vector<16xf32>
      scf.yield %add3A_72 : vector<16xf32>
    }
    %scan3A_25 = arith.constant 16 : i32
    %swap3A = arith.constant 0 : i32
    %swap3A_26 = arith.index_cast %swap3A : i32 to index
    %swap3A_27 = arith.constant 0 : index
    %swap3A_28 = tpu.vector_load %arg6[%swap3A_26, %swap3A_27] {strides = array<i32>} : memref<1x64xf32, #tpu.memory_space<vmem>>, vector<16xf32>,
    tpu.vector_store %arg6[%swap3A_26, %swap3A_27], %scan3A_24 {strides = array<i32>} : memref<1x64xf32, #tpu.memory_space<vmem>>, vector<16xf32>,
    %broadcast_in_dim3A_29 = arith.constant 0.000000e+00 : f32
    %broadcast_in_dim3A_30 = vector.broadcast %broadcast_in_dim3A_29 : f32 to vector<16xf32>
    %scan3A_31 = arith.constant 0 : i32
    %scan3A_32 = arith.constant 16 : i32
    %scan3A_33 = arith.addi %scan3A_31, %scan3A_32 : i32
    %scan3A_34 = arith.constant 1 : i32
    %scan3A_35 = scf.for %scan3A_65 = %scan3A_31 to %scan3A_33 step %scan3A_34 iter_args(%scan3A_66 = %broadcast_in_dim3A_30) -> (vector<16xf32>)  : i32 {
      %mul3A_67 = arith.constant 64 : i32
      %mul3A_68 = arith.muli %scan3A_65, %mul3A_67 : i32
      %add3A_69 = arith.constant 16 : i32
      %add3A_70 = arith.addi %mul3A_68, %add3A_69 : i32
      %get3A = arith.index_cast %add3A_70 : i32 to index
      %get3A_71 = tpu.vector_load %arg5[%get3A] {strides = array<i32>} : memref<1024xf32, #tpu.memory_space<vmem>>, vector<16xf32>,
      %add3A_72 = arith.addf %scan3A_66, %get3A_71 : vector<16xf32>
      scf.yield %add3A_72 : vector<16xf32>
    }
    %scan3A_36 = arith.constant 16 : i32
    %swap3A_37 = arith.constant 0 : i32
    %swap3A_38 = arith.index_cast %swap3A_37 : i32 to index
    %swap3A_39 = arith.constant 16 : index
    %swap3A_40 = tpu.vector_load %arg6[%swap3A_38, %swap3A_39] {strides = array<i32>} : memref<1x64xf32, #tpu.memory_space<vmem>>, vector<16xf32>,
    tpu.vector_store %arg6[%swap3A_38, %swap3A_39], %scan3A_35 {strides = array<i32>} : memref<1x64xf32, #tpu.memory_space<vmem>>, vector<16xf32>,
    %broadcast_in_dim3A_41 = arith.constant 0.000000e+00 : f32
    %broadcast_in_dim3A_42 = vector.broadcast %broadcast_in_dim3A_41 : f32 to vector<16xf32>
    %scan3A_43 = arith.constant 0 : i32
    %scan3A_44 = arith.constant 16 : i32
    %scan3A_45 = arith.addi %scan3A_43, %scan3A_44 : i32
    %scan3A_46 = arith.constant 1 : i32
    %scan3A_47 = scf.for %scan3A_65 = %scan3A_43 to %scan3A_45 step %scan3A_46 iter_args(%scan3A_66 = %broadcast_in_dim3A_42) -> (vector<16xf32>)  : i32 {
      %mul3A_67 = arith.constant 64 : i32
      %mul3A_68 = arith.muli %scan3A_65, %mul3A_67 : i32
      %add3A_69 = arith.constant 32 : i32
      %add3A_70 = arith.addi %mul3A_68, %add3A_69 : i32
      %get3A = arith.index_cast %add3A_70 : i32 to index
      %get3A_71 = tpu.vector_load %arg5[%get3A] {strides = array<i32>} : memref<1024xf32, #tpu.memory_space<vmem>>, vector<16xf32>,
      %add3A_72 = arith.addf %scan3A_66, %get3A_71 : vector<16xf32>
      scf.yield %add3A_72 : vector<16xf32>
    }
    %scan3A_48 = arith.constant 16 : i32
    %swap3A_49 = arith.constant 0 : i32
    %swap3A_50 = arith.index_cast %swap3A_49 : i32 to index
    %swap3A_51 = arith.constant 32 : index
    %swap3A_52 = tpu.vector_load %arg6[%swap3A_50, %swap3A_51] {strides = array<i32>} : memref<1x64xf32, #tpu.memory_space<vmem>>, vector<16xf32>,
    tpu.vector_store %arg6[%swap3A_50, %swap3A_51], %scan3A_47 {strides = array<i32>} : memref<1x64xf32, #tpu.memory_space<vmem>>, vector<16xf32>,
    %broadcast_in_dim3A_53 = arith.constant 0.000000e+00 : f32
    %broadcast_in_dim3A_54 = vector.broadcast %broadcast_in_dim3A_53 : f32 to vector<16xf32>
    %scan3A_55 = arith.constant 0 : i32
    %scan3A_56 = arith.constant 16 : i32
    %scan3A_57 = arith.addi %scan3A_55, %scan3A_56 : i32
    %scan3A_58 = arith.constant 1 : i32
    %scan3A_59 = scf.for %scan3A_65 = %scan3A_55 to %scan3A_57 step %scan3A_58 iter_args(%scan3A_66 = %broadcast_in_dim3A_54) -> (vector<16xf32>)  : i32 {
      %mul3A_67 = arith.constant 64 : i32
      %mul3A_68 = arith.muli %scan3A_65, %mul3A_67 : i32
      %add3A_69 = arith.constant 48 : i32
      %add3A_70 = arith.addi %mul3A_68, %add3A_69 : i32
      %get3A = arith.index_cast %add3A_70 : i32 to index
      %get3A_71 = tpu.vector_load %arg5[%get3A] {strides = array<i32>} : memref<1024xf32, #tpu.memory_space<vmem>>, vector<16xf32>,
      %add3A_72 = arith.addf %scan3A_66, %get3A_71 : vector<16xf32>
      scf.yield %add3A_72 : vector<16xf32>
    }
    %scan3A_60 = arith.constant 16 : i32
    %swap3A_61 = arith.constant 0 : i32
    %swap3A_62 = arith.index_cast %swap3A_61 : i32 to index
    %swap3A_63 = arith.constant 48 : index
    %swap3A_64 = tpu.vector_load %arg6[%swap3A_62, %swap3A_63] {strides = array<i32>} : memref<1x64xf32, #tpu.memory_space<vmem>>, vector<16xf32>,
    tpu.vector_store %arg6[%swap3A_62, %swap3A_63], %scan3A_59 {strides = array<i32>} : memref<1x64xf32, #tpu.memory_space<vmem>>, vector<16xf32>,
    "tpu.region"() ({
      %run_scoped3A = tpu.sem_alloc : memref<!tpu.dma_semaphore, #tpu.memory_space<semaphore_mem>>
      %dma_start3A = arith.constant 0 : i32
      %dma_start3A_65 = tpu.memref_slice %arg3[%add3A, %dma_start3A] : memref<32x64xf32, #tpu.memory_space<hbm>> -> memref<1x64xf32, #tpu.memory_space<hbm>>
      %dma_start3A_66 = arith.constant 0 : i32
      %dma_start3A_67 = tpu.memref_slice %arg3[%add3A, %dma_start3A_66] : memref<32x64xf32, #tpu.memory_space<hbm>> -> memref<1x64xf32, #tpu.memory_space<hbm>>
      tpu.enqueue_dma source(%arg6 : memref<1x64xf32, #tpu.memory_space<vmem>>) target(%dma_start3A_67 : memref<1x64xf32, #tpu.memory_space<hbm>>) target_semaphore(%run_scoped3A : memref<!tpu.dma_semaphore, #tpu.memory_space<semaphore_mem>>)
      %dma_wait3A = arith.constant 0 : i32
      %dma_wait3A_68 = tpu.memref_slice %arg3[%add3A, %dma_wait3A] : memref<32x64xf32, #tpu.memory_space<hbm>> -> memref<1x64xf32, #tpu.memory_space<hbm>>
      %dma_wait3A_69 = arith.constant 0 : i32
      %dma_wait3A_70 = tpu.memref_slice %arg3[%add3A, %dma_wait3A_69] : memref<32x64xf32, #tpu.memory_space<hbm>> -> memref<1x64xf32, #tpu.memory_space<hbm>>
      tpu.wait_dma2 semaphore(%run_scoped3A : memref<!tpu.dma_semaphore, #tpu.memory_space<semaphore_mem>>) src(%arg6 : memref<1x64xf32, #tpu.memory_space<vmem>>) dst(%dma_wait3A_70 : memref<1x64xf32, #tpu.memory_space<hbm>>)
      tpu.yield
    }) : () -> ()
    return
  }
}

module attributes {stable_mosaic.version = 14 : i64} {
  func.func @_tc_sum_body(%arg0: i32, %arg1: memref<16x8192xf32, #tpu.memory_space<vmem>>, %arg2: memref<1x64xf32, #tpu.memory_space<vmem>>, %arg3: memref<64x1xf32, #tpu.memory_space<vmem>>) attributes {dimension_semantics = [#tpu.dimension_semantics<arbitrary>], iteration_bounds = array<i64: 16>, scalar_prefetch = 0 : i64, scratch_operands = 1 : i64, tpu.core_type = #tpu.core_type<tc>, window_params = [{transform_indices = @transform_0, window_bounds = array<i64: 16, 8192>}, {pipeline_mode = #tpu.pipeline_mode<synchronous>, transform_indices = @transform_1, window_bounds = array<i64: 1, 64>}]} {
    %eq3A = arith.constant 0 : i32
    %eq3A_0 = arith.cmpi eq, %arg0, %eq3A : i32
    %convert_element_type3A = arith.extui %eq3A_0 : i1 to i32
    %cond3A = arith.constant 0 : i32
    %cond3A_1 = arith.cmpi ne, %convert_element_type3A, %cond3A : i32
    scf.if %cond3A_1 {
      %broadcast_in_dim3A_31 = arith.constant 0.000000e+00 : f32
      %broadcast_in_dim3A_32 = vector.broadcast %broadcast_in_dim3A_31 : f32 to vector<64x1xf32>
      %swap3A = arith.constant 0 : index
      %swap3A_33 = arith.constant 0 : index
      %swap3A_34 = vector.load %arg3[%swap3A, %swap3A_33] : memref<64x1xf32, #tpu.memory_space<vmem>>, vector<64x1xf32>
      tpu.vector_store %arg3[%swap3A, %swap3A_33], %broadcast_in_dim3A_32 {strides = array<i32>} : memref<64x1xf32, #tpu.memory_space<vmem>>, vector<64x1xf32>,
    } else {
    }
    %rem3A = arith.constant 4 : i32
    %rem3A_2 = arith.remsi %arg0, %rem3A : i32
    %get3A = arith.constant 0 : index
    %get3A_3 = arith.constant 0 : index
    %get3A_4 = vector.load %arg1[%get3A, %get3A_3] : memref<16x8192xf32, #tpu.memory_space<vmem>>, vector<16x8192xf32>
    %reduce_sum3A = arith.constant dense<0.000000e+00> : vector<16xf32>
    %reduce_sum3A_5 = vector.multi_reduction <add>, %get3A_4, %reduce_sum3A [1] : vector<16x8192xf32> to vector<16xf32>
    %broadcast_in_dim3A = vector.shape_cast %reduce_sum3A_5 : vector<16xf32> to vector<16x1xf32>
    %eq3A_6 = arith.constant 0 : i32
    %eq3A_7 = arith.cmpi eq, %rem3A_2, %eq3A_6 : i32
    %convert_element_type3A_8 = arith.extui %eq3A_7 : i1 to i32
    %cond3A_9 = arith.constant 0 : i32
    %cond3A_10 = arith.cmpi ne, %convert_element_type3A_8, %cond3A_9 : i32
    scf.if %cond3A_10 {
      %get3A_31 = arith.constant 0 : index
      %get3A_32 = arith.constant 0 : index
      %get3A_33 = vector.load %arg3[%get3A_31, %get3A_32] : memref<64x1xf32, #tpu.memory_space<vmem>>, vector<16x1xf32>
      %add3A = arith.addf %get3A_33, %broadcast_in_dim3A : vector<16x1xf32>
      %swap3A = arith.constant 0 : index
      %swap3A_34 = arith.constant 0 : index
      %swap3A_35 = vector.load %arg3[%swap3A, %swap3A_34] : memref<64x1xf32, #tpu.memory_space<vmem>>, vector<16x1xf32>
      tpu.vector_store %arg3[%swap3A, %swap3A_34], %add3A {strides = array<i32>} : memref<64x1xf32, #tpu.memory_space<vmem>>, vector<16x1xf32>,
    } else {
    }
    %eq3A_11 = arith.constant 1 : i32
    %eq3A_12 = arith.cmpi eq, %rem3A_2, %eq3A_11 : i32
    %convert_element_type3A_13 = arith.extui %eq3A_12 : i1 to i32
    %cond3A_14 = arith.constant 0 : i32
    %cond3A_15 = arith.cmpi ne, %convert_element_type3A_13, %cond3A_14 : i32
    scf.if %cond3A_15 {
      %get3A_31 = arith.constant 16 : index
      %get3A_32 = arith.constant 0 : index
      %get3A_33 = vector.load %arg3[%get3A_31, %get3A_32] : memref<64x1xf32, #tpu.memory_space<vmem>>, vector<16x1xf32>
      %add3A = arith.addf %get3A_33, %broadcast_in_dim3A : vector<16x1xf32>
      %swap3A = arith.constant 16 : index
      %swap3A_34 = arith.constant 0 : index
      %swap3A_35 = vector.load %arg3[%swap3A, %swap3A_34] : memref<64x1xf32, #tpu.memory_space<vmem>>, vector<16x1xf32>
      tpu.vector_store %arg3[%swap3A, %swap3A_34], %add3A {strides = array<i32>} : memref<64x1xf32, #tpu.memory_space<vmem>>, vector<16x1xf32>,
    } else {
    }
    %eq3A_16 = arith.constant 2 : i32
    %eq3A_17 = arith.cmpi eq, %rem3A_2, %eq3A_16 : i32
    %convert_element_type3A_18 = arith.extui %eq3A_17 : i1 to i32
    %cond3A_19 = arith.constant 0 : i32
    %cond3A_20 = arith.cmpi ne, %convert_element_type3A_18, %cond3A_19 : i32
    scf.if %cond3A_20 {
      %get3A_31 = arith.constant 32 : index
      %get3A_32 = arith.constant 0 : index
      %get3A_33 = vector.load %arg3[%get3A_31, %get3A_32] : memref<64x1xf32, #tpu.memory_space<vmem>>, vector<16x1xf32>
      %add3A = arith.addf %get3A_33, %broadcast_in_dim3A : vector<16x1xf32>
      %swap3A = arith.constant 32 : index
      %swap3A_34 = arith.constant 0 : index
      %swap3A_35 = vector.load %arg3[%swap3A, %swap3A_34] : memref<64x1xf32, #tpu.memory_space<vmem>>, vector<16x1xf32>
      tpu.vector_store %arg3[%swap3A, %swap3A_34], %add3A {strides = array<i32>} : memref<64x1xf32, #tpu.memory_space<vmem>>, vector<16x1xf32>,
    } else {
    }
    %eq3A_21 = arith.constant 3 : i32
    %eq3A_22 = arith.cmpi eq, %rem3A_2, %eq3A_21 : i32
    %convert_element_type3A_23 = arith.extui %eq3A_22 : i1 to i32
    %cond3A_24 = arith.constant 0 : i32
    %cond3A_25 = arith.cmpi ne, %convert_element_type3A_23, %cond3A_24 : i32
    scf.if %cond3A_25 {
      %get3A_31 = arith.constant 48 : index
      %get3A_32 = arith.constant 0 : index
      %get3A_33 = vector.load %arg3[%get3A_31, %get3A_32] : memref<64x1xf32, #tpu.memory_space<vmem>>, vector<16x1xf32>
      %add3A = arith.addf %get3A_33, %broadcast_in_dim3A : vector<16x1xf32>
      %swap3A = arith.constant 48 : index
      %swap3A_34 = arith.constant 0 : index
      %swap3A_35 = vector.load %arg3[%swap3A, %swap3A_34] : memref<64x1xf32, #tpu.memory_space<vmem>>, vector<16x1xf32>
      tpu.vector_store %arg3[%swap3A, %swap3A_34], %add3A {strides = array<i32>} : memref<64x1xf32, #tpu.memory_space<vmem>>, vector<16x1xf32>,
    } else {
    }
    %eq3A_26 = arith.constant 15 : i32
    %eq3A_27 = arith.cmpi eq, %arg0, %eq3A_26 : i32
    %convert_element_type3A_28 = arith.extui %eq3A_27 : i1 to i32
    %cond3A_29 = arith.constant 0 : i32
    %cond3A_30 = arith.cmpi ne, %convert_element_type3A_28, %cond3A_29 : i32
    scf.if %cond3A_30 {
      %get3A_31 = arith.constant 0 : index
      %get3A_32 = arith.constant 0 : index
      %get3A_33 = vector.load %arg3[%get3A_31, %get3A_32] : memref<64x1xf32, #tpu.memory_space<vmem>>, vector<64x1xf32>
      %reduce_sum3A_34 = arith.constant dense<0.000000e+00> : vector<64xf32>
      %reduce_sum3A_35 = vector.multi_reduction <add>, %get3A_33, %reduce_sum3A_34 [1] : vector<64x1xf32> to vector<64xf32>
      %mul3A = arith.constant 3.05175781E-5 : f32
      %mul3A_36 = vector.broadcast %mul3A : f32 to vector<64xf32>
      %mul3A_37 = arith.mulf %reduce_sum3A_35, %mul3A_36 : vector<64xf32>
      %swap3A = arith.constant 0 : index
      %swap3A_38 = arith.constant 0 : index
      %swap3A_39 = vector.load %arg2[%swap3A, %swap3A_38] : memref<1x64xf32, #tpu.memory_space<vmem>>, vector<1x64xf32>
      %swap3A_40 = vector.shape_cast %swap3A_39 : vector<1x64xf32> to vector<64xf32>
      %swap3A_41 = vector.shape_cast %mul3A_37 : vector<64xf32> to vector<1x64xf32>
      tpu.vector_store %arg2[%swap3A, %swap3A_38], %swap3A_41 {strides = array<i32>} : memref<1x64xf32, #tpu.memory_space<vmem>>, vector<1x64xf32>,
    } else {
    }
    return
  }
  func.func @transform_0(%arg0: i32) -> (i32, i32) {
    %c0_i32 = arith.constant 0 : i32
    %c0_i32_0 = arith.constant 0 : i32
    return %arg0, %c0_i32 : i32, i32
  }
  func.func @transform_1(%arg0: i32) -> (i32, i32) {
    %c0_i32 = arith.constant 0 : i32
    %c0_i32_0 = arith.constant 0 : i32
    %c0_i32_1 = arith.constant 0 : i32
    return %c0_i32, %c0_i32_0 : i32, i32
  }
}

module attributes {stable_mosaic.version = 14 : i64} {
  func.func @_tc_fin_body(%arg0: memref<1x64xf32, #tpu.memory_space<vmem>>, %arg1: memref<32x64xf32, #tpu.memory_space<vmem>>, %arg2: memref<1x1xf32, #tpu.memory_space<smem>>, %arg3: memref<1x1xf32, #tpu.memory_space<smem>>, %arg4: memref<1x1xf32, #tpu.memory_space<smem>>, %arg5: memref<1x1xf32, #tpu.memory_space<smem>>) attributes {dimension_semantics = [], scalar_prefetch = 0 : i64, scratch_operands = 0 : i64, tpu.core_type = #tpu.core_type<tc>} {
    %get3A = arith.constant 0 : index
    %get3A_0 = arith.constant 0 : index
    %get3A_1 = vector.load %arg0[%get3A, %get3A_0] : memref<1x64xf32, #tpu.memory_space<vmem>>, vector<1x64xf32>
    %get3A_2 = vector.shape_cast %get3A_1 : vector<1x64xf32> to vector<64xf32>
    %get3A_3 = arith.constant 0 : index
    %get3A_4 = arith.constant 0 : index
    %get3A_5 = vector.load %arg1[%get3A_3, %get3A_4] : memref<32x64xf32, #tpu.memory_space<vmem>>, vector<32x64xf32>
    %reduce_sum3A = arith.constant dense<0.000000e+00> : vector<64xf32>
    %reduce_sum3A_6 = vector.multi_reduction <add>, %get3A_5, %reduce_sum3A [0] : vector<32x64xf32> to vector<64xf32>
    %mul3A = arith.constant 1.52587891E-5 : f32
    %mul3A_7 = vector.broadcast %mul3A : f32 to vector<64xf32>
    %mul3A_8 = arith.mulf %reduce_sum3A_6, %mul3A_7 : vector<64xf32>
    %mul3A_9 = arith.mulf %get3A_2, %mul3A_8 : vector<64xf32>
    %reduce_sum3A_10 = vector.shape_cast %mul3A_9 : vector<64xf32> to vector<1x64xf32>
    %reduce_sum3A_11 = arith.constant dense<0.000000e+00> : vector<1xf32>
    %reduce_sum3A_12 = vector.multi_reduction <add>, %reduce_sum3A_10, %reduce_sum3A_11 [1] : vector<1x64xf32> to vector<1xf32>
    %reduce_sum3A_13 = vector.shape_cast %reduce_sum3A_12 : vector<1xf32> to vector<1x1xf32>
    %reduce_sum3A_14 = vector.extract %reduce_sum3A_13[0, 0] : f32 from vector<1x1xf32>
    %mul3A_15 = arith.constant 6.400000e-01 : f32
    %mul3A_16 = arith.mulf %mul3A_15, %reduce_sum3A_14 : f32
    %gt3A = arith.constant 0.000000e+00 : f32
    %gt3A_17 = vector.broadcast %gt3A : f32 to vector<64xf32>
    %gt3A_18 = arith.cmpf ogt, %reduce_sum3A_6, %gt3A_17 : vector<64xf32>
    %convert_element_type3A = arith.extui %gt3A_18 : vector<64xi1> to vector<64xi32>
    %convert_element_type3A_19 = arith.sitofp %convert_element_type3A : vector<64xi32> to vector<64xf32>
    %reduce_sum3A_20 = vector.shape_cast %convert_element_type3A_19 : vector<64xf32> to vector<1x64xf32>
    %reduce_sum3A_21 = arith.constant dense<0.000000e+00> : vector<1xf32>
    %reduce_sum3A_22 = vector.multi_reduction <add>, %reduce_sum3A_20, %reduce_sum3A_21 [1] : vector<1x64xf32> to vector<1xf32>
    %reduce_sum3A_23 = vector.shape_cast %reduce_sum3A_22 : vector<1xf32> to vector<1x1xf32>
    %reduce_sum3A_24 = vector.extract %reduce_sum3A_23[0, 0] : f32 from vector<1x1xf32>
    %mul3A_25 = arith.constant 1.562500e-02 : f32
    %mul3A_26 = arith.mulf %reduce_sum3A_24, %mul3A_25 : f32
    %reduce_sum3A_27 = vector.shape_cast %mul3A_8 : vector<64xf32> to vector<1x64xf32>
    %reduce_sum3A_28 = arith.constant dense<0.000000e+00> : vector<1xf32>
    %reduce_sum3A_29 = vector.multi_reduction <add>, %reduce_sum3A_27, %reduce_sum3A_28 [1] : vector<1x64xf32> to vector<1xf32>
    %reduce_sum3A_30 = vector.shape_cast %reduce_sum3A_29 : vector<1xf32> to vector<1x1xf32>
    %reduce_sum3A_31 = vector.extract %reduce_sum3A_30[0, 0] : f32 from vector<1x1xf32>
    %mul3A_32 = arith.constant 1.562500e-02 : f32
    %mul3A_33 = arith.mulf %reduce_sum3A_31, %mul3A_32 : f32
    %sub3A = vector.broadcast %mul3A_33 : f32 to vector<64xf32>
    %sub3A_34 = arith.subf %mul3A_8, %sub3A : vector<64xf32>
    %integer_pow3A = arith.mulf %sub3A_34, %sub3A_34 : vector<64xf32>
    %reduce_sum3A_35 = vector.shape_cast %integer_pow3A : vector<64xf32> to vector<1x64xf32>
    %reduce_sum3A_36 = arith.constant dense<0.000000e+00> : vector<1xf32>
    %reduce_sum3A_37 = vector.multi_reduction <add>, %reduce_sum3A_35, %reduce_sum3A_36 [1] : vector<1x64xf32> to vector<1xf32>
    %reduce_sum3A_38 = vector.shape_cast %reduce_sum3A_37 : vector<1xf32> to vector<1x1xf32>
    %reduce_sum3A_39 = vector.extract %reduce_sum3A_38[0, 0] : f32 from vector<1x1xf32>
    %mul3A_40 = arith.constant 1.562500e-02 : f32
    %mul3A_41 = arith.mulf %reduce_sum3A_39, %mul3A_40 : f32
    %mul3A_42 = arith.constant 6.400000e+01 : f32
    %mul3A_43 = arith.mulf %mul3A_42, %mul3A_41 : f32
    %add3A = arith.constant 9.99999993E-9 : f32
    %add3A_44 = arith.addf %mul3A_43, %add3A : f32
    %div3A = arith.constant 1.000000e+00 : f32
    %div3A_45 = arith.divf %div3A, %add3A_44 : f32
    %swap3A = arith.constant 0 : index
    %swap3A_46 = arith.constant 0 : index
    %swap3A_47 = memref.load %arg2[%swap3A, %swap3A_46] : memref<1x1xf32, #tpu.memory_space<smem>>
    memref.store %mul3A_16, %arg2[%swap3A, %swap3A_46] : memref<1x1xf32, #tpu.memory_space<smem>>
    %swap3A_48 = arith.constant 0 : index
    %swap3A_49 = arith.constant 0 : index
    %swap3A_50 = memref.load %arg3[%swap3A_48, %swap3A_49] : memref<1x1xf32, #tpu.memory_space<smem>>
    memref.store %mul3A_16, %arg3[%swap3A_48, %swap3A_49] : memref<1x1xf32, #tpu.memory_space<smem>>
    %swap3A_51 = arith.constant 0 : index
    %swap3A_52 = arith.constant 0 : index
    %swap3A_53 = memref.load %arg4[%swap3A_51, %swap3A_52] : memref<1x1xf32, #tpu.memory_space<smem>>
    memref.store %mul3A_26, %arg4[%swap3A_51, %swap3A_52] : memref<1x1xf32, #tpu.memory_space<smem>>
    %swap3A_54 = arith.constant 0 : index
    %swap3A_55 = arith.constant 0 : index
    %swap3A_56 = memref.load %arg5[%swap3A_54, %swap3A_55] : memref<1x1xf32, #tpu.memory_space<smem>>
    memref.store %div3A_45, %arg5[%swap3A_54, %swap3A_55] : memref<1x1xf32, #tpu.memory_space<smem>>
    return
  }
}

</mosaic_0001>

<sc_bundles>
// kernel: kernel.5.cloned.1.call-start
scs
__scs_entry_jumppad:
0x0: {  	(pc) =	sbr.rel $0x88, $3  }
0x1: {  	(tag) =	ssettag $0x0;
	lr =	simm.s32 $0x1  }
0x2: {  	[smem:$0x3F9F] =	sst lr;
	_ =	strace $0xD0000000  }
0x3: {  	_ = 	snop  }
0x4: {  	_ = 	snop  }
0x5: {  	_ = 	snop  }
0x6: {  	_ = 	snop  }
0x7: {  	_ = 	snop  }
__scs_overlays_trampoline_lowered:
0x8: {  	[smem:$0x3FAE] =	sst s0  }
0x9: {  	[smem:$0x3FAF] =	sst s1  }
0xa: {  	[smem:$0x3FB0] =	sst s2  }
0xb: {  	[smem:$0x3FB1] =	sst s3  }
0xc: {  	[smem:$0x3FB2] =	sst s4  }
0xd: {  	[smem:$0x3FB3] =	sst s5  }
0xe: {  	[smem:$0x3FB4] =	sst s6  }
0xf: {  	[smem:$0x3FB5] =	sst s7  }
0x10: {  	[smem:$0x3FB6] =	sst s8  }
0x11: {  	[smem:$0x3FB7] =	sst s9;
	s0 =	simm.s32 @!p0 $0x0  }
0x12: {  	s1 =	sld [smem:$0x3F9D];
	s0 =	simm.s32 @p0 $0x1  }
0x13: {  	[smem:$0x3FB8] =	sst s0;
	s0 =	simm.s32 @!p1 $0x0  }
0x14: {  	s2 =	sld [smem:$0x3F9C];
	s0 =	simm.s32 @p1 $0x1  }
0x15: {  	[smem:$0x3FB9] =	sst s0;
	s0 =	simm.s32 @!p2 $0x0  }
0x16: {  	s3 =	sld [smem:$0x3FDB];
	s0 =	simm.s32 @p2 $0x1  }
0x17: {  	s4 =	simm.s32 $0x1BF5;
	[smem:$0x3FBB] =	sst s0  }
0x18: {  	s0 =	sld [smem:$0x3F9E];
	_ =	swait.ge [sflag:s4], $0x0  }
0x19: {  	s7 =	sld [smem:$0x3F9F]  }
0x1a: {  	s8 =	sadd.s32 $0xFFFFE003, lr  }
0x1b: {  	s9 =	sadd.s32 $0xFFFFFEF7, lr;
	s5 =	simm.s32 $0xFFFFFFFF;
	p2 =	slt.u32 s8, $0xFFFFF086  }
0x1c: {  	p1 =	slt.u32 s9, $0xF7A;
	s5 =	simm.s32 @!p2 $0x0  }
0x1d: {  	s5 =	simm.s32 @p1 $0x1;
	p0 =	seq.s32 s7, s2  }
0x1e: {  	s7 =	smul.u32 @!p0 $0xF7A, s2;
	p2 =	seq.s32 @!p0 s5, $0x0  }
0x1f: {  	s9 =	smul.u32 $0xF7A, s1;
	s8 =	simm.s32 @!p0 $0x1BF5;
	p2 =	por !p2, p0  }
0x20: {  	[sflag:s8] =	ssyncset.s32 @!p0 $0xFFFFF086;
	s6 =	sadd.s32 @!p0 s3, s7;
	s7 =	simm.s32 @!p0 $0x108  }
0x21: {  	s3 =	sadd.s32 s3, s9;
	s6 =	sadd.s32 @!p0 $0x88, s6;
	s7 =	simm.s32 @p2 $0x1082  }
0x22: {  	[simem:s7], [sflag:s8] =	dma.local @!p0 [hbm:s6], $0xF7A  }
0x23: {  	s9 =	sor.u32 $0xD0000000, s2;
	s6 =	simm.s32 $0x108;
	_ =	swait.ge @!p0 [sflag:s8], $0x0  }
0x24: {  	s3 =	sadd.s32 $0x88, s3;
	s6 =	simm.s32 @!p1 $0x1082;
	[sflag:s4] =	ssyncset.s32 $0xFFFFF086  }
0x25: {  	[simem:s6], [sflag:s4] =	dma.local [hbm:s3], $0xF7A  }
0x26: {  	[smem:$0x3F9F] =	sst s1;
	(tag) =	ssettag s2;
	_ =	strace s9  }
0x27: {  	s1 =	sld [smem:$0x3FAF]  }
0x28: {  	s2 =	sld [smem:$0x3FB0]  }
0x29: {  	s4 =	sld [smem:$0x3FB2]  }
0x2a: {  	p0 =	seq.s32 s5, $0x0;
	s5 =	sld [smem:$0x3FB3]  }
0x2b: {  	s6 =	sld [smem:$0x3FB4]  }
0x2c: {  	s7 =	sld [smem:$0x3FB5]  }
0x2d: {  	s3 =	simm.s32 $0x108;
	s8 =	sld [smem:$0x3FB6]  }
0x2e: {  	s3 =	simm.s32 @!p0 $0x1082;
	s9 =	sld [smem:$0x3FB7]  }
0x2f: {  	lr =	sadd.s32 s0, s3;
	s0 =	sld [smem:$0x3FAE]  }
0x30: {  	s3 =	sld [smem:$0x3FB1]  }
0x31: {  	[smem:$0x3FBA] =	sst s10  }
0x32: {  	s10 =	sld [smem:$0x3FB8];
	_ =	sdelay $0x3  }
0x33: {  	p0 =	seq.s32 s10, $0x1;
	s10 =	sld [smem:$0x3FBA];
	_ =	sdelay $0x3  }
0x34: {  	[smem:$0x3FBA] =	sst s10  }
0x35: {  	s10 =	sld [smem:$0x3FB9];
	_ =	sdelay $0x3  }
0x36: {  	p1 =	seq.s32 s10, $0x1;
	s10 =	sld [smem:$0x3FBA];
	_ =	sdelay $0x3  }
0x37: {  	[smem:$0x3FBA] =	sst s10  }
0x38: {  	s10 =	sld [smem:$0x3FBB]  }
0x39: {  	_ = 	snop;
	(pc) =	sbr.ind lr, $3  }
0x3a: {  	_ = 	snop  }
0x3b: {  	_ = 	snop  }
0x3c: {  	p2 =	seq.s32 s10, $0x1;
	s10 =	sld [smem:$0x3FBA]  }
0x3d: {  	_ =	shalt  }
0x3e: {  	_ =	shalt  }
0x3f: {  	_ =	shalt  }
0x40: {  	_ =	shalt  }
0x41: {  	_ =	shalt  }
0x42: {  	_ =	shalt  }
0x43: {  	_ =	shalt  }
0x44: {  	_ =	shalt  }
0x45: {  	_ =	shalt  }
0x46: {  	_ =	shalt  }
0x47: {  	_ =	shalt  }
0x48: {  	_ =	shalt  }
0x49: {  	_ =	shalt  }
0x4a: {  	_ =	shalt  }
0x4b: {  	_ =	shalt  }
0x4c: {  	_ =	shalt  }
0x4d: {  	_ =	shalt  }
0x4e: {  	_ =	shalt  }
0x4f: {  	_ =	shalt  }
0x50: {  	_ =	shalt  }
0x51: {  	_ =	shalt  }
0x52: {  	_ =	shalt  }
0x53: {  	_ =	shalt  }
0x54: {  	_ =	shalt  }
0x55: {  	_ =	shalt  }
0x56: {  	_ =	shalt  }
0x57: {  	_ =	shalt  }
0x58: {  	_ =	shalt  }
0x59: {  	_ =	shalt  }
0x5a: {  	_ =	shalt  }
0x5b: {  	_ =	shalt  }
0x5c: {  	_ =	shalt  }
0x5d: {  	_ =	shalt  }
0x5e: {  	_ =	shalt  }
0x5f: {  	_ =	shalt  }
0x60: {  	_ =	shalt  }
0x61: {  	_ =	shalt  }
0x62: {  	_ =	shalt  }
0x63: {  	_ =	shalt  }
0x64: {  	_ =	shalt  }
0x65: {  	_ =	shalt  }
0x66: {  	_ =	shalt  }
0x67: {  	_ =	shalt  }
0x68: {  	_ =	shalt  }
0x69: {  	_ =	shalt  }
0x6a: {  	_ =	shalt  }
0x6b: {  	_ =	shalt  }
0x6c: {  	_ =	shalt  }
0x6d: {  	_ =	shalt  }
0x6e: {  	_ =	shalt  }
0x6f: {  	_ =	shalt  }
0x70: {  	_ =	shalt  }
0x71: {  	_ =	shalt  }
0x72: {  	_ =	shalt  }
0x73: {  	_ =	shalt  }
0x74: {  	_ =	shalt  }
0x75: {  	_ =	shalt  }
0x76: {  	_ =	shalt  }
0x77: {  	_ =	shalt  }
0x78: {  	_ =	shalt  }
0x79: {  	_ =	shalt  }
0x7a: {  	_ =	shalt  }
0x7b: {  	_ =	shalt  }
0x7c: {  	_ =	shalt  }
0x7d: {  	_ =	shalt  }
0x7e: {  	_ =	shalt  }
0x7f: {  	_ =	shalt  }
0x80: {  	_ =	shalt  }
0x81: {  	_ =	shalt  }
0x82: {  	_ =	shalt  }
0x83: {  	_ =	shalt  }
0x84: {  	_ =	shalt  }
0x85: {  	_ =	shalt  }
0x86: {  	_ =	shalt  }
0x87: {  	_ =	shalt  }
.Lfunc_end0:
.L_simem_size_0:
called_computation_lowered:
.L_overlay_start_0:
0x88: {  	s2 =	sld [smem:$0x3FD9]  }
0x89: {  	s3 =	sld [smem:$0x3FFE];
	_ =	sdelay $0x1  }
0x8a: {  	s1 =	srdreg.scid  }
0x8b: {  	s0 =	sand.u32 $0x1, s1  }
0x8c: {  	s17 =	sshll.u32 s0, $0xA;
	s2 =	sadd.s32 s3, s2  }
0x8d: {  	s2 =	sadd.s32 s2, s17  }
0x8e: {  	[smem:$0x3FC6] =	sst s2  }
0x8f: {  	_ = 	snop  }
0x90: {  	s2 =	sld [smem:$0x3FC8];
	(tm) =	ssettm $0x1  }
0x91: {  	s18 =	sld [smem:$0x3FFB];
	_ =	sdelay $0x3  }
0x92: {  	_ =	strace s18  }
0x93: {  	s3 =	sld [smem:$0x3FFC];
	_ =	sdelay $0x3  }
0x94: {  	_ =	strace s3  }
0x95: {  	s3 =	sld [smem:$0x3FFD];
	_ =	sdelay $0x3  }
0x96: {  	_ =	strace s3  }
0x97: {  	_ =	strace $0x8FFFFFFF  }
0x98: {  	s19 =	sld [smem:$0x3FDB];
	_ =	sdelay $0x1  }
0x99: {  	s4 =	simm.s32 $_scs_section_size  }
0x9a: {  	s5 =	simm.s32 $_size__tile_overlayer_lowered;
	s6 =	simm.s32 $_tile_overlayer_lowered  }
0x9b: {  	s22 =	simm.s32 $0x1BFF;
	s21 =	sshll.u32 s6, $0x1;
	s3 =	sadd.s32 s4, s19  }
0x9c: {  	s7 =	simm.s32 $0x0;
	s20 =	sshll.u32 s5, $0x1;
	s5 =	sadd.s32 s21, s3  }
0x9d: {  	[timem:s7], [sflag:s22] =	dma.local [hbm:s5], s20  }
0x9e: {  	_ =	swait.ge [sflag:s22], s20  }
0x9f: {  	s4 =	ssub.s32 $0x0, s20;
	[sflag:s22] =	ssyncset.done $0x0  }
0xa0: {  	[sflag:s22] =	ssyncadd.s32 s4;
	_ =	sdelay $0x1  }
0xa1: {  	s23 =	simm.s32 $0x1B8B  }
0xa2: {  	_ =	swait.ge [sflag:s23], $0x1  }
0xa3: {  	[sflag:s23] =	ssyncset.done $0x0  }
0xa4: {  	s25 =	simm.s32 $0x1B8E;
	s24 =	sld [smem:$0x3FFE];
	[sflag:s23] =	ssyncadd.s32 $0xFFFFFFFF  }
0xa5: {  	s26 =	simm.s32 $execute0_lowered;
	[smem:$0x3FD2] =	sst s25  }
0xa6: {  	s5 =	sshll.u32 s26, $0x1;
	_ =	strace $0x80000046;
	[dreg:$0x1] =	wrdreg $0xFFFFFFFF  }
0xa7: {  	s28 =	simm.s32 $_size_execute0_lowered;
	s3 =	sadd.s32 s3, s5;
	[dreg:$0x0] =	wrdreg $0x0  }
0xa8: {  	s5 =	sshll.u32 s28, $0x1;
	[dreg:$0x2] =	wrdreg s3  }
0xa9: {  	[dreg:$0x3] =	wrdreg s5  }
0xaa: {  	[dreg:$0x4] =	wrdreg $0xC0  }
0xab: {  	_ =	task [dreg:s7], $0x5FFFF  }
0xac: {  	[dreg:$0x1] =	wrdreg $0xFFFFFFFF  }
0xad: {  	[dreg:$0x0] =	wrdreg $0x60  }
0xae: {  	[dreg:$0x2] =	wrdreg s2  }
0xaf: {  	[dreg:$0x3] =	wrdreg s24  }
0xb0: {  	[dreg:$0x4] =	wrdreg $0x9  }
0xb1: {  	_ =	task.clear_ibuf [dreg:s7], $0x5FFFF;
	_ =	strace $0x90000046  }
0xb2: {  	s29 =	simm.s32 $0x9;
	_ =	strace $0x80000048  }
0xb3: {  	_ =	swait.ge [sflag:s29], $0x1  }
0xb4: {  	[sflag:s29] =	ssyncadd.s32 $0xFFFFFFFF  }
0xb5: {  	_ =	strace $0x90000048  }
0xb6: {  	_ =	sfence  }
0xb7: {  	s30 =	sld [smem:$0x0];
	_ =	sdelay $0x2  }
0xb8: {  	s31 =	sshll.u32 s1, $0xD;
	s1 =	sshrl.u32 s1, $0x2  }
0xb9: {  	s3 =	sand.u32 $0x4000, s31;
	s1 =	sadd.s32 s1, s30  }
0xba: {  	s0 =	sor.u32 s3, s0;
	s1 =	sshll.u32 s1, $0x11  }
0xbb: {  	s0 =	sor.u32 s1, s0  }
0xbc: {  	s0 =	sadd.s32 $0x8F2B, s0  }
0xbd: {  	[sflag:s0] =	ssyncadd.remote.s32 $0x1  }
0xbe: {  	_ =	sfence.sel $0xFFFF  }
0xbf: {  	[dreg:$0x0] =	wrdreg $0xFFFFFFFF;
	(pc) =	sbr.abs _section_cstart, $3  }
0xc0: {  	[dreg:$0x1] =	wrdreg $0xFFFFFFFF  }
0xc1: {  	_ =	task.clear_ibuf [dreg:s7], $0x2FFFF;
	_ =	strace $0x9FFFFFFF  }
0xc2: {  	(tm) =	ssettm $0x7FFFFFFF  }
0xc3: {  	_ =	shalt  }
tec
execute0_lowered:
.L_overlay_start_1:
0x0: {  	(tag) =	ssettag $0x1  }
0x1: {  	s3 =	rddreg [dreg:$0x0]  }
0x2: {  	s4 =	rddreg [dreg:$0x1]  }
0x3: {  	s0 =	rddreg [dreg:$0x2]  }
0x4: {  	s2 =	simm.s32 $0x0;
	s5 =	srdreg.scid;
	s1 =	stileid.u32  }
0x5: {  	s9 =	simm.s32 $0x0;
	s5 =	sand.u32 $0x1, s5;
	s6 =	sshll.u32 s1, $0x1  }
0x6: {  	[smem:$0x7FF] =	sst s2;
	s6 =	sor.u32 s5, s6;
	s5 =	ssub.s32 $0x2, s5  }
0x7: {  	_ =	strace $0x80000047;
	s7 =	sshll.u32 s6, $0x4;
	s8 =	sshrl.u32 s5, $0x1  }
0x8: {  	s6 =	sshll.u32 s6, $0x8;
	s4 =	sadd.s32 s7, s4;
	s5 =	ssub.s32 s5, s8  }
0x9: {  	v1 =	vlaneseq.u32;
	s3 =	sadd.s32 s3, s6;
	s6 =	simm.s32 $0x1;
	s7 =	simm.s32 $0x800  }
0xa: {  	v0 =	vimm.f32 $0.0e+00;
	v2 =	vimm.f32 $1.000000000e+00;
	v1 =	vmul.u32 $0x40, v1;
	s8 =	simm.s32 $0xC00;
	s4 =	sadd.s32 $0x800, s4;
	s5 =	smax.u32 s5, $0x1  }
.LBB2_1:
0xb: {  	[tilespmem:s2], [sflag:$0x1] =	stream.linear.gather [hbm4b:s3+s2], $0x800, $0x38;
	[tilespmem:$0xC80] =	vst v63  }
0xc: {  	_ =	swait.ge [sflag:s6], $0x800  }
0xd: {  	[sflag:s6] =	ssyncset.done $0x0  }
0xe: {  	s10 =	simm.s32 $0x0;
	[sflag:s6] =	ssyncadd.s32 $0xFFFFF800  }
.LBB2_2:
0xf: {  	p0 =	sne.s32 s10, $0xFC0  }
.Ltmp0:
0x10: {  	_ = 	snop;
	(pc) =	sbr.rel @p0 .LBB2_2-.Ltmp0, $3  }
0x11: {  	_ =	sdelay $0x1  }
0x12: {  	s11 =	sshra.s32 s10, $0x2  }
0x13: {  	s10 =	sadd.s32 $0x40, s10;
	[tilespmem:s11+$0x800] =	vst v0  }
0x14: {  	s11 =	simm.s32 $0x0;
	s10 =	simm.s32 $0x40  }
.LBB2_4:
0x15: {  	p0 =	sne.s32 s10, $0x1FC0;
	v3 =	vld [tilespmem:s11+$0x0];
	_ =	sdelay $0x4  }
0x16: {  	v3 =	vadd.s32 v1, v3  }
.Ltmp1:
0x17: {  	(pc) =	sbr.rel @p0 .LBB2_4-.Ltmp1, $2  }
0x18: {  	_ =	sdelay $0x2  }
0x19: {  	s11 =	sshra.s32 s10, $0x2;
	s10 =	sadd.s32 $0x40, s10;
	[tilespmem:v3+s7+$0x0] =	vst.idx.add.f32.msk $0xffff, v2  }
0x1a: {  	v3 =	vld [tilespmem:s11+$0x0];
	_ =	sdelay $0x4  }
0x1b: {  	v3 =	vadd.s32 v1, v3;
	_ =	sdelay $0x4  }
0x1c: {  	[tilespmem:v3+s7+$0x0] =	vst.idx.add.f32.msk $0xffff, v2  }
0x1d: {  	v3 =	vld [tilespmem:$0x800]  }
0x1e: {  	v4 =	vld [tilespmem:$0x840]  }
0x1f: {  	v5 =	vld [tilespmem:$0x880]  }
0x20: {  	v6 =	vld [tilespmem:$0x8C0]  }
0x21: {  	v7 =	vld [tilespmem:$0x900]  }
0x22: {  	v8 =	vld [tilespmem:$0x940]  }
0x23: {  	v9 =	vld [tilespmem:$0x980]  }
0x24: {  	v10 =	vld [tilespmem:$0x9C0]  }
0x25: {  	v11 =	vld [tilespmem:$0xA00]  }
0x26: {  	v12 =	vld [tilespmem:$0xA40]  }
0x27: {  	v13 =	vld [tilespmem:$0xA80]  }
0x28: {  	v14 =	vld [tilespmem:$0xAC0]  }
0x29: {  	v15 =	vld [tilespmem:$0xB00]  }
0x2a: {  	v16 =	vld [tilespmem:$0xB40]  }
0x2b: {  	v17 =	vld [tilespmem:$0xB80]  }
0x2c: {  	v18 =	vld [tilespmem:$0xBC0]  }
0x2d: {  	v19 =	vld [tilespmem:$0x810]  }
0x2e: {  	v20 =	vld [tilespmem:$0x850]  }
0x2f: {  	v21 =	vld [tilespmem:$0x890]  }
0x30: {  	v22 =	vld [tilespmem:$0x8D0]  }
0x31: {  	v23 =	vld [tilespmem:$0x910]  }
0x32: {  	v24 =	vld [tilespmem:$0x950]  }
0x33: {  	v25 =	vld [tilespmem:$0x990]  }
0x34: {  	v26 =	vld [tilespmem:$0x9D0]  }
0x35: {  	v27 =	vld [tilespmem:$0xA10]  }
0x36: {  	v28 =	vld [tilespmem:$0xA50]  }
0x37: {  	v29 =	vld [tilespmem:$0xA90]  }
0x38: {  	v30 =	vld [tilespmem:$0xAD0]  }
0x39: {  	v31 =	vld [tilespmem:$0xB10]  }
0x3a: {  	v32 =	vld [tilespmem:$0xB50]  }
0x3b: {  	v33 =	vld [tilespmem:$0xB90]  }
0x3c: {  	v34 =	vld [tilespmem:$0xBD0]  }
0x3d: {  	v36 =	vld [tilespmem:$0x830]  }
0x3e: {  	v35 =	vld [tilespmem:$0x820]  }
0x3f: {  	v38 =	vld [tilespmem:$0x870]  }
0x40: {  	v37 =	vld [tilespmem:$0x860];
	v3 =	vadd.f32 $0.0e+00, v3  }
0x41: {  	v59 =	vld [tilespmem:$0x8B0];
	v19 =	vadd.f32 $0.0e+00, v19  }
0x42: {  	v39 =	vld [tilespmem:$0x8A0];
	v36 =	vadd.f32 $0.0e+00, v36;
	v3 =	vadd.f32 v4, v3  }
0x43: {  	v61 =	vld [tilespmem:$0x8F0];
	v58 =	vadd.f32 $0.0e+00, v35;
	v19 =	vadd.f32 v20, v19  }
0x44: {  	v60 =	vld [tilespmem:$0x8E0];
	v62 =	vadd.f32 v38, v36;
	v3 =	vadd.f32 v5, v3  }
0x45: {  	v4 =	vadd.f32 v37, v58;
	v38 =	vld [tilespmem:$0x930];
	v19 =	vadd.f32 v21, v19  }
0x46: {  	v63 =	vld [tilespmem:$0x920];
	v21 =	vadd.f32 v59, v62;
	v3 =	vadd.f32 v6, v3  }
0x47: {  	v40 =	vld [tilespmem:$0x970];
	v4 =	vadd.f32 v39, v4;
	v19 =	vadd.f32 v22, v19  }
0x48: {  	v39 =	vld [tilespmem:$0x960];
	v5 =	vadd.f32 v61, v21;
	v3 =	vadd.f32 v7, v3  }
0x49: {  	v42 =	vld [tilespmem:$0x9B0];
	v4 =	vadd.f32 v60, v4;
	v19 =	vadd.f32 v23, v19  }
0x4a: {  	v41 =	vld [tilespmem:$0x9A0];
	v5 =	vadd.f32 v38, v5;
	v3 =	vadd.f32 v8, v3  }
0x4b: {  	v44 =	vld [tilespmem:$0x9F0];
	v4 =	vadd.f32 v63, v4;
	v19 =	vadd.f32 v24, v19  }
0x4c: {  	v43 =	vld [tilespmem:$0x9E0];
	v5 =	vadd.f32 v40, v5;
	v3 =	vadd.f32 v9, v3  }
0x4d: {  	v46 =	vld [tilespmem:$0xA30];
	v4 =	vadd.f32 v39, v4;
	v19 =	vadd.f32 v25, v19  }
0x4e: {  	v45 =	vld [tilespmem:$0xA20];
	v5 =	vadd.f32 v42, v5;
	v3 =	vadd.f32 v10, v3  }
0x4f: {  	v48 =	vld [tilespmem:$0xA70];
	v4 =	vadd.f32 v41, v4;
	v19 =	vadd.f32 v26, v19  }
0x50: {  	v47 =	vld [tilespmem:$0xA60];
	v5 =	vadd.f32 v44, v5;
	v3 =	vadd.f32 v11, v3  }
0x51: {  	v51 =	vld [tilespmem:$0xAB0];
	v4 =	vadd.f32 v43, v4;
	v49 =	vadd.f32 v27, v19  }
0x52: {  	v50 =	vld [tilespmem:$0xAA0];
	v5 =	vadd.f32 v46, v5;
	v3 =	vadd.f32 v12, v3  }
0x53: {  	v53 =	vld [tilespmem:$0xAF0];
	v4 =	vadd.f32 v45, v4;
	v11 =	vadd.f32 v28, v49  }
0x54: {  	v52 =	vld [tilespmem:$0xAE0];
	v5 =	vadd.f32 v48, v5;
	v3 =	vadd.f32 v13, v3  }
0x55: {  	v55 =	vld [tilespmem:$0xB30];
	v4 =	vadd.f32 v47, v4;
	v11 =	vadd.f32 v29, v11  }
0x56: {  	v54 =	vld [tilespmem:$0xB20];
	v5 =	vadd.f32 v51, v5;
	v3 =	vadd.f32 v14, v3  }
0x57: {  	v57 =	vld [tilespmem:$0xB70];
	v4 =	vadd.f32 v50, v4;
	v11 =	vadd.f32 v30, v11  }
0x58: {  	v56 =	vld [tilespmem:$0xB60];
	v5 =	vadd.f32 v53, v5;
	v3 =	vadd.f32 v15, v3  }
0x59: {  	v59 =	vld [tilespmem:$0xBB0];
	v4 =	vadd.f32 v52, v4;
	v11 =	vadd.f32 v31, v11  }
0x5a: {  	v58 =	vld [tilespmem:$0xBA0];
	v5 =	vadd.f32 v55, v5;
	v3 =	vadd.f32 v16, v3  }
0x5b: {  	v61 =	vld [tilespmem:$0xBF0];
	v4 =	vadd.f32 v54, v4;
	v11 =	vadd.f32 v32, v11  }
0x5c: {  	v60 =	vld [tilespmem:$0xBE0];
	v5 =	vadd.f32 v57, v5;
	v3 =	vadd.f32 v17, v3  }
0x5d: {  	v4 =	vadd.f32 v56, v4;
	v11 =	vadd.f32 v33, v11  }
0x5e: {  	v5 =	vadd.f32 v59, v5;
	v3 =	vadd.f32 v18, v3  }
0x5f: {  	v4 =	vadd.f32 v58, v4;
	v62 =	vadd.f32 v34, v11  }
0x60: {  	v63 =	vadd.f32 v61, v5;
	[tilespmem:$0xC00] =	vst v3  }
0x61: {  	s9 =	sadd.s32 $0x1, s9;
	v3 =	vadd.f32 v60, v4;
	[tilespmem:$0xC10] =	vst v62  }
0x62: {  	p0 =	sne.s32 s9, s5;
	[tilespmem:$0xC30] =	vst v63  }
.Ltmp2:
0x63: {  	[tilespmem:$0xC20] =	vst v3;
	(pc) =	sbr.rel @p0 .LBB2_1-.Ltmp2, $4  }
0x64: {  	[hbm4b:s4+s2] =	stream.linear.scatter [tilespmem:s8], [sflag:$0x1], $0x80, $0x38;
	[tilespmem:$0xC80] =	vst v63  }
0x65: {  	_ =	swait.ge [sflag:s6], $0x80  }
0x66: {  	[sflag:s6] =	ssyncset.done $0x0  }
0x67: {  	[sflag:s6] =	ssyncadd.s32 $0xFFFFFF80  }
0x68: {  	_ =	sfence.sel $0x180000  }
0x69: {  	[bflag:$0x0] =	sbarrier.arrive $0xFFFF  }
0x6a: {  	p0 =	sne.s32 s1, $0x0;
	_ =	strace $0x90000047  }
0x6b: {  	s0 =	sadd.s32 @!p0 $0x100000, s0;
	[bflag:$0x2] =	sbarrier.arrive $0xFFFF  }
0x6c: {  	[sflag:s0] =	ssyncadd.tile.s32 @!p0 $0x1;
	_ =	shalt  }
.Lfunc_end2:
_tile_overlayer_lowered:
.L_overlay_start_2:
0x6d: {  	(tag) =	ssettag $0x2  }
0x6e: {  	s0 =	rddreg [dreg:$0x0];
	s2 =	stileid.u32  }
0x6f: {  	s1 =	rddreg [dreg:$0x1];
	p0 =	sne.s32 s2, $0x0  }
0x70: {  	s3 =	rddreg [dreg:$0x2];
	[bflag:$0x3] =	sbarrier.arrive $0xFFFF;
	s2 =	simm.s32 @!p0 $0x1C01  }
0x71: {  	[timem:s3], [sflag:s2] =	dma.local @!p0 [hbm:s0], s1  }
0x72: {  	s0 =	simm.s32 @!p0 $0x1  }
0x73: {  	_ =	swait.ge @!p0 [sflag:s0], s1  }
0x74: {  	s1 =	ssub.s32 @!p0 $0x0, s1;
	[sflag:s0] =	ssyncset.done @!p0 $0x0  }
0x75: {  	[sflag:s0] =	ssyncadd.s32 @!p0 s1  }
0x76: {  	[bflag:$0x3] =	sbarrier.arrive $0xFFFF  }
0x77: {  	_ =	shalt  }

</sc_bundles>
